<compile_context>
chip_gen: v7x
topology: tpu7x:2x2x1
jax: 0.10.2.dev20260603
libtpu: 0.0.44.dev20260713+nightly
codegen_flags: <defaults>
</compile_context>

<pallas_src>
import functools

import jax
import jax.numpy as jnp
from jax import lax
from jax.experimental import pallas as pl
from jax.experimental.pallas import tpu as pltpu
from jax.experimental.pallas import tpu_sc as plsc

N_VARS = 16
N_CLIQUES = 15
K = 2 * N_VARS
L = 16
NC, NS = 2, 16
NW = NC * NS
OFF = 1


def _splat(ref, flat_idx):
    assert flat_idx > 0
    return plsc.load_gather(ref, [jnp.full((L,), flat_idx, jnp.int32)])


def _make_sc_call(B):
    bpw = B // NW
    mesh = plsc.VectorSubcoreMesh(
        core_axis_name="c", subcore_axis_name="s", num_cores=NC)

    @functools.partial(
        pl.kernel,
        out_type=jax.ShapeDtypeStruct((B,), jnp.float32),
        mesh=mesh,
        compiler_params=pltpu.CompilerParams(
            needs_layout_passes=False, use_tc_tiling_on_sc=True),
        scratch_types=[
            pltpu.VMEM((bpw, K), jnp.float32),
            pltpu.VMEM((64,), jnp.float32),
            pltpu.VMEM((64,), jnp.int32),
            pltpu.VMEM((bpw,), jnp.float32),
            pltpu.SemaphoreType.DMA,
            pltpu.SemaphoreType.DMA,
        ],
    )
    def run(samples_hbm, w_hbm, r_hbm, out_hbm,
            s_v, w_v, r_v, o_v, sem_t, sem_s):
        wid = lax.axis_index("s") * NC + lax.axis_index("c")
        base = wid * bpw
        cp_s = pltpu.make_async_copy(
            samples_hbm.at[pl.ds(base, bpw)], s_v, sem_s)
        cp_s.start()
        cp_w = pltpu.make_async_copy(w_hbm, w_v, sem_t)
        cp_w.start()
        cp_r = pltpu.make_async_copy(r_hbm, r_v, sem_t)
        cp_r.start()
        cp_w.wait()
        cp_r.wait()

        offv = jnp.full((L,), OFF, jnp.int32)

        def dp_step(c, a):
            a0, a1 = a
            i0 = offv + 4 * c
            w0 = plsc.load_gather(w_v, [i0])
            w1 = plsc.load_gather(w_v, [i0 + 1])
            w2 = plsc.load_gather(w_v, [i0 + 2])
            w3 = plsc.load_gather(w_v, [i0 + 3])
            return (a0 * w0 + a1 * w2, a0 * w1 + a1 * w3)

        ones = jnp.full((L,), 1.0, jnp.float32)
        a0, a1 = lax.fori_loop(0, N_CLIQUES, dp_step, (ones, ones))
        inv_z = 1.0 / (a0 + a1)

        last = OFF + 4 * (N_CLIQUES - 1)
        rc1 = _splat(r_v, last + 1)
        rc3 = _splat(r_v, last + 3)
        cp_s.wait()

        @plsc.parallel_loop(0, bpw // L, unroll=4)
        def _group(g):
            rowv = lax.iota(jnp.int32, L) + g * L
            f1 = plsc.load_gather(s_v, [rowv, rc1])
            f3 = plsc.load_gather(s_v, [rowv, rc3])
            widx = (f1 + f1 + f3).astype(jnp.int32) + last
            o_v[pl.ds(g * L, L)] = plsc.load_gather(w_v, [widx]) * inv_z

        pltpu.sync_copy(o_v, out_hbm.at[pl.ds(base, bpw)])

    return run


def kernel(samples, clique_weights, rows):
    B = samples.shape[0]
    pad = 64 - 4 * N_CLIQUES - OFF
    w_flat = jnp.pad(clique_weights.reshape(-1).astype(jnp.float32),
                     (OFF, pad))
    r_flat = jnp.pad(rows.reshape(-1).astype(jnp.int32), (OFF, pad))
    out = _make_sc_call(B)(samples.astype(jnp.float32), w_flat, r_flat)
    return out.astype(samples.dtype)

# --- scband reference (transcript-rebuilt; emitter-appended) ---
"""Pipeline reference for scband-markov-random-field-66425964200147 (READ-ONLY COPY).

The authoritative reference and input builder live on the scoring server;
editing this copy changes nothing except your own understanding.
"""

import jax, jax.numpy as jnp
import numpy as np

N_VARS = 16
N_CLIQUES = 15
B = 16384
K = 2 * N_VARS

# universe matrix for a 2-variable binary clique: all 4 joint worlds, one-hot per variable
UNIVERSE4 = jnp.array([[1., 0., 1., 0.],
                       [1., 0., 0., 1.],
                       [0., 1., 1., 0.],
                       [0., 1., 0., 1.]], dtype=jnp.float32)


def _clique_rows():
    # feature-column slices (rows in universe) for clique (v_i, v_{i+1})
    return jnp.stack([jnp.array([2 * i, 2 * i + 1, 2 * (i + 1), 2 * (i + 1) + 1], dtype=jnp.int32)
                      for i in range(N_CLIQUES)])


def setup_inputs(seed: int = 0) -> dict:
    key = jax.random.key(seed)
    k1, k2 = jax.random.split(key)
    # valid one-hot samples: random assignment per variable -> one-hot indicator features
    assign = jax.random.randint(k1, (B, N_VARS), 0, 2)
    samples = jax.nn.one_hot(assign, 2, dtype=jnp.float32).reshape(B, K)
    # learned per-clique world weights, uniform(0,1) like torch.rand in _initialize_weights
    clique_weights = jax.random.uniform(k2, (N_CLIQUES, 4), dtype=jnp.float32)
    rows = _clique_rows()
    return {"samples": samples, "clique_weights": clique_weights, "rows": rows}


def _clique_mass(feats_src, rows_c, weights_c):
    # gather the clique's feature columns (equiv. samples[:, rows] / world[rows])
    feats = jnp.take(feats_src, rows_c, axis=1)              # [n, 4]
    # fitting_worlds = clique_universe == clique_features (broadcast over batch)
    fitting = UNIVERSE4[:, None, :] == feats[None, :, :]      # [4, n, 4]
    # collapse_sideways: a world fits only if all features match
    collapsed = jnp.all(fitting, axis=-1)                     # [4, n]
    # weighted segment-style reduce over the clique's worlds
    return jnp.sum(collapsed.astype(weights_c.dtype) * weights_c[:, None], axis=0)  # [n]


def _global_universe():
    worlds = jnp.arange(2 ** N_VARS)
    bits = (worlds[:, None] >> jnp.arange(N_VARS)[None, :]) & 1   # [2^16, 16]
    return jax.nn.one_hot(bits, 2, dtype=jnp.float32).reshape(-1, K)


def _calc_z(rows, clique_weights):
    # faithful to _calc_z: Z = sum over all global worlds of prod over cliques of matching weight
    U = _global_universe()
    mass0 = jnp.ones((U.shape[0],), dtype=clique_weights.dtype)

    def body(mass, cw):
        r, w = cw
        return mass * _clique_mass(U, r, w), None

    mass, _ = jax.lax.scan(body, mass0, (rows, clique_weights))
    return jnp.sum(mass)


def reference(samples, clique_weights, rows):
    Z = _calc_z(rows, clique_weights)
    b = samples.shape[0]
    world_probability_masses = jnp.ones((b,), dtype=samples.dtype)
    world_probability_mass = world_probability_masses
    for c in range(N_CLIQUES):
        cw = _clique_mass(samples, rows[c], clique_weights[c])
        # faithful to the original forward: the accumulator `world_probability_masses`
        # is never updated inside the loop, so only the last clique's mass survives
        world_probability_mass = world_probability_masses * cw
    return world_probability_mass / Z

if __name__ == "__main__":
    import jax
    _d = setup_inputs()
    print(jax.jit(kernel)(*tuple(_d.values())))

</pallas_src>

<mosaic_0001>
#map = affine_map<(d0, d1) -> (0, 0)>
#map1 = affine_map<(d0, d1) -> (0)>
module attributes {stable_mosaic.version = 14 : i64} {
  func.func @run(%arg0: i32, %arg1: i32, %arg2: memref<16384x32xf32, #tpu.memory_space<hbm>>, %arg3: memref<64xf32, #tpu.memory_space<hbm>>, %arg4: memref<64xi32, #tpu.memory_space<hbm>>, %arg5: memref<16384xf32, #tpu.memory_space<hbm>>, %arg6: memref<512x32xf32, #tpu.memory_space<vmem>>, %arg7: memref<64xf32, #tpu.memory_space<vmem>>, %arg8: memref<64xi32, #tpu.memory_space<vmem>>, %arg9: memref<512xf32, #tpu.memory_space<vmem>>, %arg10: memref<!tpu.dma_semaphore, #tpu.memory_space<semaphore_mem>>, %arg11: memref<!tpu.dma_semaphore, #tpu.memory_space<semaphore_mem>>) attributes {dimension_semantics = [#tpu.dimension_semantics<core_parallel>, #tpu.dimension_semantics<subcore_parallel>], iteration_bounds = array<i64: 2, 16>, scalar_prefetch = 0 : i64, scratch_operands = 6 : i64, tpu.core_type = #tpu.core_type<sc_vector_subcore>, window_params = [{transform_indices = #map}, {transform_indices = #map1}, {transform_indices = #map1}, {transform_indices = #map1}]} {
    %mul3A = arith.constant 2 : i32
    %mul3A_0 = arith.muli %arg1, %mul3A : i32
    %add3A = arith.addi %mul3A_0, %arg0 : i32
    %mul3A_1 = arith.constant 512 : i32
    %mul3A_2 = arith.muli %add3A, %mul3A_1 : i32
    %dma_start3A = arith.constant 0 : i32
    %dma_start3A_3 = tpu.memref_slice %arg2[%mul3A_2, %dma_start3A] : memref<16384x32xf32, #tpu.memory_space<hbm>> -> memref<512x32xf32, #tpu.memory_space<hbm>>
    %dma_start3A_4 = arith.constant 0 : i32
    %dma_start3A_5 = tpu.memref_slice %arg2[%mul3A_2, %dma_start3A_4] : memref<16384x32xf32, #tpu.memory_space<hbm>> -> memref<512x32xf32, #tpu.memory_space<hbm>>
    tpu.enqueue_dma source(%dma_start3A_5 : memref<512x32xf32, #tpu.memory_space<hbm>>) target(%arg6 : memref<512x32xf32, #tpu.memory_space<vmem>>) target_semaphore(%arg11 : memref<!tpu.dma_semaphore, #tpu.memory_space<semaphore_mem>>)
    tpu.enqueue_dma source(%arg3 : memref<64xf32, #tpu.memory_space<hbm>>) target(%arg7 : memref<64xf32, #tpu.memory_space<vmem>>) target_semaphore(%arg10 : memref<!tpu.dma_semaphore, #tpu.memory_space<semaphore_mem>>)
    tpu.enqueue_dma source(%arg4 : memref<64xi32, #tpu.memory_space<hbm>>) target(%arg8 : memref<64xi32, #tpu.memory_space<vmem>>) target_semaphore(%arg10 : memref<!tpu.dma_semaphore, #tpu.memory_space<semaphore_mem>>)
    tpu.wait_dma2 semaphore(%arg10 : memref<!tpu.dma_semaphore, #tpu.memory_space<semaphore_mem>>) src(%arg3 : memref<64xf32, #tpu.memory_space<hbm>>) dst(%arg7 : memref<64xf32, #tpu.memory_space<vmem>>)
    tpu.wait_dma2 semaphore(%arg10 : memref<!tpu.dma_semaphore, #tpu.memory_space<semaphore_mem>>) src(%arg4 : memref<64xi32, #tpu.memory_space<hbm>>) dst(%arg8 : memref<64xi32, #tpu.memory_space<vmem>>)
    %broadcast_in_dim3A = arith.constant 1 : i32
    %broadcast_in_dim3A_6 = vector.broadcast %broadcast_in_dim3A : i32 to vector<16xi32>
    %broadcast_in_dim3A_7 = arith.constant 1.000000e+00 : f32
    %broadcast_in_dim3A_8 = vector.broadcast %broadcast_in_dim3A_7 : f32 to vector<16xf32>
    %scan3A = arith.constant 0 : i32
    %scan3A_9 = arith.constant 15 : i32
    %scan3A_10 = arith.addi %scan3A, %scan3A_9 : i32
    %scan3A_11 = arith.constant 1 : i32
    %scan3A_12:2 = scf.for %scan3A_27 = %scan3A to %scan3A_10 step %scan3A_11 iter_args(%scan3A_28 = %broadcast_in_dim3A_8, %scan3A_29 = %broadcast_in_dim3A_8) -> (vector<16xf32>, vector<16xf32>)  : i32 {
      %mul3A_30 = arith.constant 4 : i32
      %mul3A_31 = arith.muli %mul3A_30, %scan3A_27 : i32
      %add3A_32 = vector.broadcast %mul3A_31 : i32 to vector<16xi32>
      %add3A_33 = arith.addi %broadcast_in_dim3A_6, %add3A_32 : vector<16xi32>
      %gather3A_34 = tpu.vector_load_idx %arg7[%add3A_33] : memref<64xf32, #tpu.memory_space<vmem>>[vector<16xi32>], vector<16xf32>,
      %add3A_35 = arith.constant 1 : i32
      %add3A_36 = vector.broadcast %add3A_35 : i32 to vector<16xi32>
      %add3A_37 = arith.addi %add3A_33, %add3A_36 : vector<16xi32>
      %gather3A_38 = tpu.vector_load_idx %arg7[%add3A_37] : memref<64xf32, #tpu.memory_space<vmem>>[vector<16xi32>], vector<16xf32>,
      %add3A_39 = arith.constant 2 : i32
      %add3A_40 = vector.broadcast %add3A_39 : i32 to vector<16xi32>
      %add3A_41 = arith.addi %add3A_33, %add3A_40 : vector<16xi32>
      %gather3A_42 = tpu.vector_load_idx %arg7[%add3A_41] : memref<64xf32, #tpu.memory_space<vmem>>[vector<16xi32>], vector<16xf32>,
      %add3A_43 = arith.constant 3 : i32
      %add3A_44 = vector.broadcast %add3A_43 : i32 to vector<16xi32>
      %add3A_45 = arith.addi %add3A_33, %add3A_44 : vector<16xi32>
      %gather3A_46 = tpu.vector_load_idx %arg7[%add3A_45] : memref<64xf32, #tpu.memory_space<vmem>>[vector<16xi32>], vector<16xf32>,
      %mul3A_47 = arith.mulf %scan3A_28, %gather3A_34 : vector<16xf32>
      %mul3A_48 = arith.mulf %scan3A_29, %gather3A_42 : vector<16xf32>
      %add3A_49 = arith.addf %mul3A_47, %mul3A_48 : vector<16xf32>
      %mul3A_50 = arith.mulf %scan3A_28, %gather3A_38 : vector<16xf32>
      %mul3A_51 = arith.mulf %scan3A_29, %gather3A_46 : vector<16xf32>
      %add3A_52 = arith.addf %mul3A_50, %mul3A_51 : vector<16xf32>
      scf.yield %add3A_49, %add3A_52 : vector<16xf32>, vector<16xf32>
    }
    %scan3A_13 = arith.constant 15 : i32
    %add3A_14 = arith.addf %scan3A_12#0, %scan3A_12#1 : vector<16xf32>
    %div3A = arith.constant 1.000000e+00 : f32
    %div3A_15 = vector.broadcast %div3A : f32 to vector<16xf32>
    %div3A_16 = arith.divf %div3A_15, %add3A_14 : vector<16xf32>
    %broadcast_in_dim3A_17 = arith.constant 58 : i32
    %broadcast_in_dim3A_18 = vector.broadcast %broadcast_in_dim3A_17 : i32 to vector<16xi32>
    %gather3A = tpu.vector_load_idx %arg8[%broadcast_in_dim3A_18] : memref<64xi32, #tpu.memory_space<vmem>>[vector<16xi32>], vector<16xi32>,
    %broadcast_in_dim3A_19 = arith.constant 60 : i32
    %broadcast_in_dim3A_20 = vector.broadcast %broadcast_in_dim3A_19 : i32 to vector<16xi32>
    %gather3A_21 = tpu.vector_load_idx %arg8[%broadcast_in_dim3A_20] : memref<64xi32, #tpu.memory_space<vmem>>[vector<16xi32>], vector<16xi32>,
    %dma_wait3A = arith.constant 0 : i32
    %dma_wait3A_22 = tpu.memref_slice %arg2[%mul3A_2, %dma_wait3A] : memref<16384x32xf32, #tpu.memory_space<hbm>> -> memref<512x32xf32, #tpu.memory_space<hbm>>
    %dma_wait3A_23 = arith.constant 0 : i32
    %dma_wait3A_24 = tpu.memref_slice %arg2[%mul3A_2, %dma_wait3A_23] : memref<16384x32xf32, #tpu.memory_space<hbm>> -> memref<512x32xf32, #tpu.memory_space<hbm>>
    tpu.wait_dma2 semaphore(%arg11 : memref<!tpu.dma_semaphore, #tpu.memory_space<semaphore_mem>>) src(%dma_wait3A_24 : memref<512x32xf32, #tpu.memory_space<hbm>>) dst(%arg6 : memref<512x32xf32, #tpu.memory_space<vmem>>)
    %parallel_loop3A = arith.constant 0 : i32
    %parallel_loop3A_25 = arith.constant 32 : i32
    %parallel_loop3A_26 = arith.constant 1 : i32
    scf.for %parallel_loop3A_27 = %parallel_loop3A to %parallel_loop3A_25 step %parallel_loop3A_26  : i32 {
      %parallel_loop3A_28 = tpu.iota {dimensions = array<i32: 0>} : vector<16xi32>
      %parallel_loop3A_29 = arith.constant 16 : i32
      %parallel_loop3A_30 = arith.muli %parallel_loop3A_27, %parallel_loop3A_29 : i32
      %parallel_loop3A_31 = vector.broadcast %parallel_loop3A_30 : i32 to vector<16xi32>
      %parallel_loop3A_32 = arith.addi %parallel_loop3A_28, %parallel_loop3A_31 : vector<16xi32>
      %parallel_loop3A_33 = tpu.vector_load_idx %arg6[%parallel_loop3A_32, %gather3A] : memref<512x32xf32, #tpu.memory_space<vmem>>[vector<16xi32>, vector<16xi32>], vector<16xf32>,
      %parallel_loop3A_34 = tpu.vector_load_idx %arg6[%parallel_loop3A_32, %gather3A_21] : memref<512x32xf32, #tpu.memory_space<vmem>>[vector<16xi32>, vector<16xi32>], vector<16xf32>,
      %parallel_loop3A_35 = arith.addf %parallel_loop3A_33, %parallel_loop3A_33 : vector<16xf32>
      %parallel_loop3A_36 = arith.addf %parallel_loop3A_35, %parallel_loop3A_34 : vector<16xf32>
      %parallel_loop3A_37 = arith.fptosi %parallel_loop3A_36 : vector<16xf32> to vector<16xi32>
      %parallel_loop3A_38 = arith.constant 57 : i32
      %parallel_loop3A_39 = vector.broadcast %parallel_loop3A_38 : i32 to vector<16xi32>
      %parallel_loop3A_40 = arith.addi %parallel_loop3A_37, %parallel_loop3A_39 : vector<16xi32>
      %parallel_loop3A_41 = tpu.vector_load_idx %arg7[%parallel_loop3A_40] : memref<64xf32, #tpu.memory_space<vmem>>[vector<16xi32>], vector<16xf32>,
      %parallel_loop3A_42 = arith.mulf %parallel_loop3A_41, %div3A_16 : vector<16xf32>
      %parallel_loop3A_43 = arith.constant 16 : i32
      %parallel_loop3A_44 = arith.muli %parallel_loop3A_27, %parallel_loop3A_43 : i32
      %parallel_loop3A_45 = arith.index_cast %parallel_loop3A_44 : i32 to index
      %parallel_loop3A_46 = tpu.vector_load %arg9[%parallel_loop3A_45] {strides = array<i32>} : memref<512xf32, #tpu.memory_space<vmem>>, vector<16xf32>,
      tpu.vector_store %arg9[%parallel_loop3A_45], %parallel_loop3A_42 {strides = array<i32>} : memref<512xf32, #tpu.memory_space<vmem>>, vector<16xf32>,
    } {sc.loop_unroll_factor = 4 : i64, sc.parallel_access}
    "tpu.region"() ({
      %run_scoped3A = tpu.sem_alloc : memref<!tpu.dma_semaphore, #tpu.memory_space<semaphore_mem>>
      %dma_start3A_27 = tpu.memref_slice %arg5[%mul3A_2] : memref<16384xf32, #tpu.memory_space<hbm>> -> memref<512xf32, #tpu.memory_space<hbm>>
      %dma_start3A_28 = tpu.memref_slice %arg5[%mul3A_2] : memref<16384xf32, #tpu.memory_space<hbm>> -> memref<512xf32, #tpu.memory_space<hbm>>
      tpu.enqueue_dma source(%arg9 : memref<512xf32, #tpu.memory_space<vmem>>) target(%dma_start3A_28 : memref<512xf32, #tpu.memory_space<hbm>>) target_semaphore(%run_scoped3A : memref<!tpu.dma_semaphore, #tpu.memory_space<semaphore_mem>>)
      %dma_wait3A_29 = tpu.memref_slice %arg5[%mul3A_2] : memref<16384xf32, #tpu.memory_space<hbm>> -> memref<512xf32, #tpu.memory_space<hbm>>
      %dma_wait3A_30 = tpu.memref_slice %arg5[%mul3A_2] : memref<16384xf32, #tpu.memory_space<hbm>> -> memref<512xf32, #tpu.memory_space<hbm>>
      tpu.wait_dma2 semaphore(%run_scoped3A : memref<!tpu.dma_semaphore, #tpu.memory_space<semaphore_mem>>) src(%arg9 : memref<512xf32, #tpu.memory_space<vmem>>) dst(%dma_wait3A_30 : memref<512xf32, #tpu.memory_space<hbm>>)
      tpu.yield
    }) : () -> ()
    return
  }
}

</mosaic_0001>

<sc_bundles>
// kernel: kernel.3.cloned.1.call-start
scs
__scs_entry_jumppad:
0x0: {  	(pc) =	sbr.rel $0x88, $3  }
0x1: {  	(tag) =	ssettag $0x0;
	lr =	simm.s32 $0x1  }
0x2: {  	[smem:$0x3F9E] =	sst lr;
	_ =	strace $0xD0000000  }
0x3: {  	_ = 	snop  }
0x4: {  	_ = 	snop  }
0x5: {  	_ = 	snop  }
0x6: {  	_ = 	snop  }
0x7: {  	_ = 	snop  }
__scs_overlays_trampoline_lowered:
0x8: {  	[smem:$0x3FAD] =	sst s0  }
0x9: {  	[smem:$0x3FAE] =	sst s1  }
0xa: {  	[smem:$0x3FAF] =	sst s2  }
0xb: {  	[smem:$0x3FB0] =	sst s3  }
0xc: {  	[smem:$0x3FB1] =	sst s4  }
0xd: {  	[smem:$0x3FB2] =	sst s5  }
0xe: {  	[smem:$0x3FB3] =	sst s6  }
0xf: {  	[smem:$0x3FB4] =	sst s7  }
0x10: {  	[smem:$0x3FB5] =	sst s8  }
0x11: {  	[smem:$0x3FB6] =	sst s9;
	s0 =	simm.s32 @!p0 $0x0  }
0x12: {  	s1 =	sld [smem:$0x3F9C];
	s0 =	simm.s32 @p0 $0x1  }
0x13: {  	[smem:$0x3FB7] =	sst s0;
	s0 =	simm.s32 @!p1 $0x0  }
0x14: {  	s2 =	sld [smem:$0x3F9B];
	s0 =	simm.s32 @p1 $0x1  }
0x15: {  	[smem:$0x3FB8] =	sst s0;
	s0 =	simm.s32 @!p2 $0x0  }
0x16: {  	s3 =	sld [smem:$0x3FDB];
	s0 =	simm.s32 @p2 $0x1  }
0x17: {  	s4 =	simm.s32 $0x1BF5;
	[smem:$0x3FBA] =	sst s0  }
0x18: {  	s0 =	sld [smem:$0x3F9D];
	_ =	swait.ge [sflag:s4], $0x0  }
0x19: {  	s7 =	sld [smem:$0x3F9E]  }
0x1a: {  	s8 =	sadd.s32 $0xFFFFE003, lr  }
0x1b: {  	s9 =	sadd.s32 $0xFFFFFEF7, lr;
	s5 =	simm.s32 $0xFFFFFFFF;
	p2 =	slt.u32 s8, $0xFFFFF086  }
0x1c: {  	p1 =	slt.u32 s9, $0xF7A;
	s5 =	simm.s32 @!p2 $0x0  }
0x1d: {  	s5 =	simm.s32 @p1 $0x1;
	p0 =	seq.s32 s7, s2  }
0x1e: {  	s7 =	smul.u32 @!p0 $0xF7A, s2;
	p2 =	seq.s32 @!p0 s5, $0x0  }
0x1f: {  	s9 =	smul.u32 $0xF7A, s1;
	s8 =	simm.s32 @!p0 $0x1BF5;
	p2 =	por !p2, p0  }
0x20: {  	[sflag:s8] =	ssyncset.s32 @!p0 $0xFFFFF086;
	s6 =	sadd.s32 @!p0 s3, s7;
	s7 =	simm.s32 @!p0 $0x108  }
0x21: {  	s3 =	sadd.s32 s3, s9;
	s6 =	sadd.s32 @!p0 $0x88, s6;
	s7 =	simm.s32 @p2 $0x1082  }
0x22: {  	[simem:s7], [sflag:s8] =	dma.local @!p0 [hbm:s6], $0xF7A  }
0x23: {  	s9 =	sor.u32 $0xD0000000, s2;
	s6 =	simm.s32 $0x108;
	_ =	swait.ge @!p0 [sflag:s8], $0x0  }
0x24: {  	s3 =	sadd.s32 $0x88, s3;
	s6 =	simm.s32 @!p1 $0x1082;
	[sflag:s4] =	ssyncset.s32 $0xFFFFF086  }
0x25: {  	[simem:s6], [sflag:s4] =	dma.local [hbm:s3], $0xF7A  }
0x26: {  	[smem:$0x3F9E] =	sst s1;
	(tag) =	ssettag s2;
	_ =	strace s9  }
0x27: {  	s1 =	sld [smem:$0x3FAE]  }
0x28: {  	s2 =	sld [smem:$0x3FAF]  }
0x29: {  	s4 =	sld [smem:$0x3FB1]  }
0x2a: {  	p0 =	seq.s32 s5, $0x0;
	s5 =	sld [smem:$0x3FB2]  }
0x2b: {  	s6 =	sld [smem:$0x3FB3]  }
0x2c: {  	s7 =	sld [smem:$0x3FB4]  }
0x2d: {  	s3 =	simm.s32 $0x108;
	s8 =	sld [smem:$0x3FB5]  }
0x2e: {  	s3 =	simm.s32 @!p0 $0x1082;
	s9 =	sld [smem:$0x3FB6]  }
0x2f: {  	lr =	sadd.s32 s0, s3;
	s0 =	sld [smem:$0x3FAD]  }
0x30: {  	s3 =	sld [smem:$0x3FB0]  }
0x31: {  	[smem:$0x3FB9] =	sst s10  }
0x32: {  	s10 =	sld [smem:$0x3FB7];
	_ =	sdelay $0x3  }
0x33: {  	p0 =	seq.s32 s10, $0x1;
	s10 =	sld [smem:$0x3FB9];
	_ =	sdelay $0x3  }
0x34: {  	[smem:$0x3FB9] =	sst s10  }
0x35: {  	s10 =	sld [smem:$0x3FB8];
	_ =	sdelay $0x3  }
0x36: {  	p1 =	seq.s32 s10, $0x1;
	s10 =	sld [smem:$0x3FB9];
	_ =	sdelay $0x3  }
0x37: {  	[smem:$0x3FB9] =	sst s10  }
0x38: {  	s10 =	sld [smem:$0x3FBA]  }
0x39: {  	_ = 	snop;
	(pc) =	sbr.ind lr, $3  }
0x3a: {  	_ = 	snop  }
0x3b: {  	_ = 	snop  }
0x3c: {  	p2 =	seq.s32 s10, $0x1;
	s10 =	sld [smem:$0x3FB9]  }
0x3d: {  	_ =	shalt  }
0x3e: {  	_ =	shalt  }
0x3f: {  	_ =	shalt  }
0x40: {  	_ =	shalt  }
0x41: {  	_ =	shalt  }
0x42: {  	_ =	shalt  }
0x43: {  	_ =	shalt  }
0x44: {  	_ =	shalt  }
0x45: {  	_ =	shalt  }
0x46: {  	_ =	shalt  }
0x47: {  	_ =	shalt  }
0x48: {  	_ =	shalt  }
0x49: {  	_ =	shalt  }
0x4a: {  	_ =	shalt  }
0x4b: {  	_ =	shalt  }
0x4c: {  	_ =	shalt  }
0x4d: {  	_ =	shalt  }
0x4e: {  	_ =	shalt  }
0x4f: {  	_ =	shalt  }
0x50: {  	_ =	shalt  }
0x51: {  	_ =	shalt  }
0x52: {  	_ =	shalt  }
0x53: {  	_ =	shalt  }
0x54: {  	_ =	shalt  }
0x55: {  	_ =	shalt  }
0x56: {  	_ =	shalt  }
0x57: {  	_ =	shalt  }
0x58: {  	_ =	shalt  }
0x59: {  	_ =	shalt  }
0x5a: {  	_ =	shalt  }
0x5b: {  	_ =	shalt  }
0x5c: {  	_ =	shalt  }
0x5d: {  	_ =	shalt  }
0x5e: {  	_ =	shalt  }
0x5f: {  	_ =	shalt  }
0x60: {  	_ =	shalt  }
0x61: {  	_ =	shalt  }
0x62: {  	_ =	shalt  }
0x63: {  	_ =	shalt  }
0x64: {  	_ =	shalt  }
0x65: {  	_ =	shalt  }
0x66: {  	_ =	shalt  }
0x67: {  	_ =	shalt  }
0x68: {  	_ =	shalt  }
0x69: {  	_ =	shalt  }
0x6a: {  	_ =	shalt  }
0x6b: {  	_ =	shalt  }
0x6c: {  	_ =	shalt  }
0x6d: {  	_ =	shalt  }
0x6e: {  	_ =	shalt  }
0x6f: {  	_ =	shalt  }
0x70: {  	_ =	shalt  }
0x71: {  	_ =	shalt  }
0x72: {  	_ =	shalt  }
0x73: {  	_ =	shalt  }
0x74: {  	_ =	shalt  }
0x75: {  	_ =	shalt  }
0x76: {  	_ =	shalt  }
0x77: {  	_ =	shalt  }
0x78: {  	_ =	shalt  }
0x79: {  	_ =	shalt  }
0x7a: {  	_ =	shalt  }
0x7b: {  	_ =	shalt  }
0x7c: {  	_ =	shalt  }
0x7d: {  	_ =	shalt  }
0x7e: {  	_ =	shalt  }
0x7f: {  	_ =	shalt  }
0x80: {  	_ =	shalt  }
0x81: {  	_ =	shalt  }
0x82: {  	_ =	shalt  }
0x83: {  	_ =	shalt  }
0x84: {  	_ =	shalt  }
0x85: {  	_ =	shalt  }
0x86: {  	_ =	shalt  }
0x87: {  	_ =	shalt  }
.Lfunc_end0:
.L_simem_size_0:
called_computation_lowered:
.L_overlay_start_0:
0x88: {  	s2 =	sld [smem:$0x3FD9]  }
0x89: {  	s3 =	sld [smem:$0x3FFE];
	_ =	sdelay $0x1  }
0x8a: {  	s1 =	srdreg.scid  }
0x8b: {  	s0 =	sand.u32 $0x1, s1  }
0x8c: {  	s17 =	sshll.u32 s0, $0xA;
	s2 =	sadd.s32 s3, s2  }
0x8d: {  	s2 =	sadd.s32 s2, s17  }
0x8e: {  	[smem:$0x3FC5] =	sst s2  }
0x8f: {  	_ = 	snop  }
0x90: {  	s2 =	sld [smem:$0x3FD0];
	(tm) =	ssettm $0x1  }
0x91: {  	s18 =	sld [smem:$0x3FFB];
	_ =	sdelay $0x3  }
0x92: {  	_ =	strace s18  }
0x93: {  	s3 =	sld [smem:$0x3FFC];
	_ =	sdelay $0x3  }
0x94: {  	_ =	strace s3  }
0x95: {  	s3 =	sld [smem:$0x3FFD];
	_ =	sdelay $0x3  }
0x96: {  	_ =	strace s3  }
0x97: {  	_ =	strace $0x8FFFFFFF  }
0x98: {  	s19 =	sld [smem:$0x3FDB];
	_ =	sdelay $0x1  }
0x99: {  	s4 =	simm.s32 $_scs_section_size  }
0x9a: {  	s5 =	simm.s32 $_size__tile_overlayer_lowered;
	s6 =	simm.s32 $_tile_overlayer_lowered  }
0x9b: {  	s22 =	simm.s32 $0x1BFF;
	s21 =	sshll.u32 s6, $0x1;
	s3 =	sadd.s32 s4, s19  }
0x9c: {  	s7 =	simm.s32 $0x0;
	s20 =	sshll.u32 s5, $0x1;
	s5 =	sadd.s32 s21, s3  }
0x9d: {  	[timem:s7], [sflag:s22] =	dma.local [hbm:s5], s20  }
0x9e: {  	_ =	swait.ge [sflag:s22], s20  }
0x9f: {  	s4 =	ssub.s32 $0x0, s20;
	[sflag:s22] =	ssyncset.done $0x0  }
0xa0: {  	[sflag:s22] =	ssyncadd.s32 s4;
	_ =	sdelay $0x1  }
0xa1: {  	s23 =	simm.s32 $0x1B8B  }
0xa2: {  	_ =	swait.ge [sflag:s23], $0x1  }
0xa3: {  	[sflag:s23] =	ssyncset.done $0x0  }
0xa4: {  	s25 =	simm.s32 $0x1B8E;
	s24 =	sld [smem:$0x3FFE];
	[sflag:s23] =	ssyncadd.s32 $0xFFFFFFFF  }
0xa5: {  	s26 =	simm.s32 $execute0_lowered;
	[smem:$0x3FD2] =	sst s25  }
0xa6: {  	s5 =	sshll.u32 s26, $0x1;
	_ =	strace $0x80000046;
	[dreg:$0x1] =	wrdreg $0xFFFFFFFF  }
0xa7: {  	s28 =	simm.s32 $_size_execute0_lowered;
	s3 =	sadd.s32 s3, s5;
	[dreg:$0x0] =	wrdreg $0x0  }
0xa8: {  	s5 =	sshll.u32 s28, $0x1;
	[dreg:$0x2] =	wrdreg s3  }
0xa9: {  	[dreg:$0x3] =	wrdreg s5  }
0xaa: {  	[dreg:$0x4] =	wrdreg $0xC0  }
0xab: {  	_ =	task [dreg:s7], $0x5FFFF  }
0xac: {  	[dreg:$0x1] =	wrdreg $0xFFFFFFFF  }
0xad: {  	[dreg:$0x0] =	wrdreg $0x60  }
0xae: {  	[dreg:$0x2] =	wrdreg s24  }
0xaf: {  	[dreg:$0x3] =	wrdreg s2  }
0xb0: {  	[dreg:$0x4] =	wrdreg $0x9  }
0xb1: {  	_ =	task.clear_ibuf [dreg:s7], $0x5FFFF;
	_ =	strace $0x90000046  }
0xb2: {  	s29 =	simm.s32 $0x9;
	_ =	strace $0x80000048  }
0xb3: {  	_ =	swait.ge [sflag:s29], $0x1  }
0xb4: {  	[sflag:s29] =	ssyncadd.s32 $0xFFFFFFFF  }
0xb5: {  	_ =	strace $0x90000048  }
0xb6: {  	_ =	sfence  }
0xb7: {  	s30 =	sld [smem:$0x0];
	_ =	sdelay $0x2  }
0xb8: {  	s31 =	sshll.u32 s1, $0xD;
	s1 =	sshrl.u32 s1, $0x2  }
0xb9: {  	s3 =	sand.u32 $0x4000, s31;
	s1 =	sadd.s32 s1, s30  }
0xba: {  	s0 =	sor.u32 s3, s0;
	s1 =	sshll.u32 s1, $0x11  }
0xbb: {  	s0 =	sor.u32 s1, s0  }
0xbc: {  	s0 =	sadd.s32 $0x8F2B, s0  }
0xbd: {  	[sflag:s0] =	ssyncadd.remote.s32 $0x1  }
0xbe: {  	_ =	sfence.sel $0xFFFF  }
0xbf: {  	[dreg:$0x0] =	wrdreg $0xFFFFFFFF;
	(pc) =	sbr.abs _section_cstart, $3  }
0xc0: {  	[dreg:$0x1] =	wrdreg $0xFFFFFFFF  }
0xc1: {  	_ =	task.clear_ibuf [dreg:s7], $0x2FFFF;
	_ =	strace $0x9FFFFFFF  }
0xc2: {  	(tm) =	ssettm $0x7FFFFFFF  }
0xc3: {  	_ =	shalt  }
tec
execute0_lowered:
.L_overlay_start_1:
0x0: {  	(tag) =	ssettag $0x1  }
0x1: {  	s1 =	srdreg.scid  }
0x2: {  	s4 =	rddreg [dreg:$0x0];
	s0 =	stileid.u32  }
0x3: {  	s6 =	rddreg [dreg:$0x1];
	s2 =	simm.s32 $0x0;
	s10 =	simm.s32 $0x1  }
0x4: {  	s11 =	simm.s32 $0x2;
	s12 =	simm.s32 $0x10100;
	s13 =	simm.s32 $0x3  }
0x5: {  	s14 =	simm.s32 $0x0;
	s3 =	sand.u32 $0x1, s1;
	s1 =	rddreg [dreg:$0x2]  }
0x6: {  	s5 =	sshll.u32 s0, $0xA;
	[smem:$0x7FF] =	sst s2;
	s7 =	sshll.u32 s3, $0x9  }
0x7: {  	_ =	strace $0x80000047;
	s8 =	ssub.s32 $0x2, s3;
	s7 =	sor.u32 s7, s5  }
0x8: {  	s3 =	sadd.s32 $0x40400, s4;
	s9 =	sshrl.u32 s8, $0x1;
	s5 =	sshll.u32 s7, $0x4  }
0x9: {  	s8 =	ssub.s32 s8, s9;
	s7 =	sshrl.u32 s7, $0x3;
	s9 =	simm.s32 $0x10080  }
0xa: {  	v2 =	vlaneseq.u32;
	s5 =	sadd.s32 s5, s4;
	s4 =	sadd.s32 $0x40600, s4;
	s6 =	sadd.s32 s6, s7  }
0xb: {  	v0 =	vimm.s32 $0x3A;
	v1 =	vimm.s32 $0x3C;
	v2 =	vmul.u32 $0x80, v2;
	s7 =	smax.u32 s8, $0x1;
	s8 =	simm.s32 $0x10000;
	s5 =	sadd.s32 $0x400, s5  }
.LBB2_1:
0xc: {  	[tilespmem:s2], [sflag:$0x2] =	stream.linear.gather [hbm4b:s5+s2], $0x10000, $0x38;
	[tilespmem:$0x10300] =	vst v63  }
0xd: {  	_ = 	snop  }
0xe: {  	v3 =	vmov s2;
	[tilespmem:s8], [sflag:$0x1] =	stream.linear.gather [hbm4b:s3+s2], $0x80, $0x38;
	[tilespmem:$0x10300] =	vst v63  }
0xf: {  	v3 =	vadd.s32 $0x1, v3  }
0x10: {  	v4 =	vbroadcast v3, $0x0;
	[tilespmem:s9], [sflag:$0x1] =	stream.linear.gather [hbm4b:s4+s2], $0x80, $0x38;
	[tilespmem:$0x10300] =	vst v63  }
0x11: {  	_ =	swait.ge [sflag:s10], $0x80  }
0x12: {  	s15 =	simm.s32 $0x4;
	v5 =	vadd.s32 $0x1, v4;
	[sflag:s10] =	ssyncset.done $0x0  }
0x13: {  	v3 =	vmov s15;
	v6 =	vadd.s32 $0x3, v4;
	[sflag:s10] =	ssyncadd.s32 $0xFFFFFF80  }
0x14: {  	v3 =	vadd.s32 $0x1, v3;
	_ =	swait.ge [sflag:s10], $0x80  }
0x15: {  	v3 =	vbroadcast v3, $0x0;
	v7 =	vor.u32 $0x2, v4;
	[sflag:s10] =	ssyncset.done $0x0  }
0x16: {  	[sflag:s10] =	ssyncadd.s32 $0xFFFFFF80  }
0x17: {  	s31 =	simm.s32 $0x8;
	v8 =	vadd.s32 $0x1, v3;
	v11 =	vld.idx.msk [tilespmem:v5+s8+$0x0], $0xffff  }
0x18: {  	v14 =	vld.idx.msk [tilespmem:v6+s8+$0x0], $0xffff;
	v5 =	vmov s31;
	v6 =	vadd.s32 $0x3, v3  }
0x19: {  	v9 =	vadd.s32 $0x1, v5;
	v5 =	vld.idx.msk [tilespmem:v4+s8+$0x0], $0xffff  }
0x1a: {  	v10 =	vor.u32 $0x2, v3;
	v7 =	vld.idx.msk [tilespmem:v7+s8+$0x0], $0xffff;
	v9 =	vbroadcast v9, $0x0;
	_ =	sdelay $0x1  }
0x1b: {  	v12 =	vimm.f32 $1.000000000e+00;
	v4 =	vld.idx.msk [tilespmem:v8+s8+$0x0], $0xffff;
	v8 =	vadd.s32 $0x1, v9  }
0x1c: {  	s15 =	simm.s32 $0xC;
	v6 =	vld.idx.msk [tilespmem:v6+s8+$0x0], $0xffff;
	v13 =	vmul.f32 v11, v12;
	v14 =	vmul.f32 v14, v12;
	v11 =	vimm.f32 $1.000000000e+00  }
.LBB2_2:
0x1d: {  	v15 =	vmov s15;
	v16 =	vadd.s32 $0x3, v9;
	v17 =	vmovc v5;
	v5 =	vld.idx.msk [tilespmem:v3+s8+$0x0], $0xffff;
	v3 =	vmov v9;
	p0 =	sne.s32 s15, $0x38  }
.Ltmp0:
0x1e: {  	v12 =	vmul.f32 v17, v12;
	v17 =	vmul.f32 v7, v11;
	v7 =	vld.idx.msk [tilespmem:v10+s8+$0x0], $0xffff;
	v11 =	vadd.f32 v14, v13;
	(pc) =	sbr.rel @p0 .LBB2_2-.Ltmp0, $4  }
0x1f: {  	s15 =	sadd.s32 $0x4, s15;
	v9 =	vadd.s32 $0x1, v15;
	v10 =	vor.u32 $0x2, v3  }
0x20: {  	v9 =	vbroadcast v9, $0x0;
	v12 =	vadd.f32 v17, v12  }
0x21: {  	v13 =	vmov v4;
	v4 =	vld.idx.msk [tilespmem:v8+s8+$0x0], $0xffff  }
0x22: {  	v8 =	vadd.s32 $0x1, v9;
	v14 =	vmul.f32 v6, v11;
	v13 =	vmul.f32 v13, v12;
	v6 =	vld.idx.msk [tilespmem:v16+s8+$0x0], $0xffff  }
0x23: {  	_ =	sdelay $0x3  }
0x24: {  	v15 =	vadd.s32 $0x3, v9;
	v3 =	vld.idx.msk [tilespmem:v3+s8+$0x0], $0xffff  }
0x25: {  	v10 =	vld.idx.msk [tilespmem:v10+s8+$0x0], $0xffff;
	v5 =	vmul.f32 v5, v12;
	v7 =	vmul.f32 v7, v11;
	v11 =	vor.u32 $0x2, v9;
	_ =	sdelay $0x1  }
0x26: {  	v9 =	vld.idx.msk [tilespmem:v9+s8+$0x0], $0xffff;
	v5 =	vadd.f32 v7, v5  }
0x27: {  	v12 =	vadd.f32 v14, v13;
	v7 =	vld.idx.msk [tilespmem:v8+s8+$0x0], $0xffff  }
0x28: {  	v4 =	vmul.f32 v4, v5;
	v8 =	vld.idx.msk [tilespmem:v15+s8+$0x0], $0xffff  }
0x29: {  	v11 =	vld.idx.msk [tilespmem:v11+s8+$0x0], $0xffff;
	v3 =	vmul.f32 v3, v5;
	v5 =	vmul.f32 v10, v12  }
0x2a: {  	v6 =	vmul.f32 v6, v12  }
0x2b: {  	v3 =	vadd.f32 v5, v3  }
0x2c: {  	v4 =	vadd.f32 v6, v4  }
0x2d: {  	v5 =	vmul.f32 v7, v3;
	v3 =	vmul.f32 v9, v3  }
0x2e: {  	v6 =	vmul.f32 v8, v4;
	v4 =	vmul.f32 v11, v4;
	_ =	sdelay $0x1  }
0x2f: {  	v5 =	vadd.f32 v6, v5;
	v3 =	vadd.f32 v4, v3;
	_ =	sdelay $0x1  }
0x30: {  	v3 =	vadd.f32 v5, v3;
	_ =	sdelay $0x1  }
0x31: {  	(erf) = vrcp.f32 v3;
	_ =	sdelay $0x2  }
0x32: {  	v4 =	vld.idx.msk [tilespmem:v0+s9+$0x0], $0xffff  }
0x33: {  	s15 =	simm.s32 $0x10  }
0x34: {  	s16 =	simm.s32 $0x20;
	v5 =	vld.idx.msk [tilespmem:v1+s9+$0x0], $0xffff;
	v3 =	vmov s15  }
0x35: {  	v6 =	vmov s16;
	v3 =	vshll.u32 v3, $0x7  }
0x36: {  	s22 =	simm.s32 $0x30;
	v6 =	vshll.u32 v6, $0x7;
	v7 =	vor.u32 v2, v3  }
0x37: {  	s23 =	simm.s32 $0x0;
	v9 =	vmov s22;
	v6 =	vor.u32 v2, v6;
	v8 =	vadd.s32 v4, v7  }
0x38: {  	v9 =	vshll.u32 v9, $0x7;
	v11 =	vmov s23;
	v10 =	vadd.s32 v4, v6;
	v3 =	vpop (erf)  }
0x39: {  	s24 =	simm.s32 $0x50;
	v9 =	vor.u32 v2, v9;
	v11 =	vshll.u32 v11, $0x7;
	v6 =	vadd.s32 v5, v6;
	_ =	swait.ge [sflag:s11], $0x10000  }
0x3a: {  	v14 =	vmov s24;
	v11 =	vor.u32 v2, v11;
	v12 =	vadd.s32 v4, v9;
	[sflag:s11] =	ssyncset.done $0x0  }
0x3b: {  	v14 =	vshll.u32 v14, $0x7;
	v13 =	vadd.s32 v4, v11;
	[sflag:s11] =	ssyncadd.s32 $0xFFFF0000  }
0x3c: {  	v14 =	vor.u32 v2, v14;
	v9 =	vadd.s32 v5, v9;
	v8 =	vld.idx.msk [tilespmem:v8+s2+$0x0], $0xffff  }
0x3d: {  	v17 =	vadd.s32 v4, v14;
	v10 =	vld.idx.msk [tilespmem:v10+s2+$0x0], $0xffff  }
0x3e: {  	v11 =	vadd.s32 v5, v11;
	v6 =	vld.idx.msk [tilespmem:v6+s2+$0x0], $0xffff  }
0x3f: {  	v7 =	vadd.s32 v5, v7;
	v12 =	vld.idx.msk [tilespmem:v12+s2+$0x0], $0xffff  }
0x40: {  	s25 =	simm.s32 $0x60;
	s17 =	simm.s32 $0x70;
	v13 =	vld.idx.msk [tilespmem:v13+s2+$0x0], $0xffff  }
0x41: {  	v16 =	vmov s17;
	v15 =	vmov s25;
	v9 =	vld.idx.msk [tilespmem:v9+s2+$0x0], $0xffff  }
0x42: {  	v16 =	vshll.u32 v16, $0x7;
	v15 =	vshll.u32 v15, $0x7;
	v17 =	vld.idx.msk [tilespmem:v17+s2+$0x0], $0xffff  }
0x43: {  	s26 =	simm.s32 $0x40;
	v16 =	vor.u32 v2, v16;
	v15 =	vor.u32 v2, v15;
	v11 =	vld.idx.msk [tilespmem:v11+s2+$0x0], $0xffff  }
0x44: {  	v20 =	vmov s26;
	v18 =	vadd.s32 v4, v15;
	v19 =	vadd.s32 v4, v16;
	v7 =	vld.idx.msk [tilespmem:v7+s2+$0x0], $0xffff  }
0x45: {  	v15 =	vadd.s32 v5, v15;
	v10 =	vadd.f32 v10, v10;
	v12 =	vadd.f32 v12, v12  }
0x46: {  	v16 =	vadd.s32 v5, v16;
	v13 =	vadd.f32 v13, v13;
	v8 =	vadd.f32 v8, v8  }
0x47: {  	v14 =	vadd.s32 v5, v14;
	v17 =	vadd.f32 v17, v17;
	v6 =	vadd.f32 v6, v10  }
0x48: {  	s28 =	simm.s32 $0x90;
	v9 =	vadd.f32 v9, v12;
	v10 =	vshll.u32 v20, $0x7;
	v11 =	vadd.f32 v11, v13  }
0x49: {  	s29 =	simm.s32 $0xA0;
	v7 =	vadd.f32 v7, v8;
	v12 =	vmov s28;
	v10 =	vor.u32 v2, v10  }
0x4a: {  	v13 =	vmov s29;
	v12 =	vshll.u32 v12, $0x7;
	v8 =	vadd.s32 v4, v10  }
0x4b: {  	v18 =	vld.idx.msk [tilespmem:v18+s2+$0x0], $0xffff;
	v13 =	vshll.u32 v13, $0x7;
	v6 =	vtrunc.f32 v6;
	v10 =	vadd.s32 v5, v10  }
0x4c: {  	v20 =	vld.idx.msk [tilespmem:v15+s2+$0x0], $0xffff;
	v9 =	vtrunc.f32 v9;
	v21 =	vor.u32 v2, v12;
	v6 =	vcvt.f32.s32 v6  }
0x4d: {  	s30 =	simm.s32 $0xB0;
	v15 =	vld.idx.msk [tilespmem:v19+s2+$0x0], $0xffff;
	v11 =	vtrunc.f32 v11;
	v12 =	vor.u32 v2, v13;
	v9 =	vcvt.f32.s32 v9  }
0x4e: {  	v16 =	vld.idx.msk [tilespmem:v16+s2+$0x0], $0xffff;
	v7 =	vtrunc.f32 v7;
	v13 =	vmov s30;
	v6 =	vadd.s32 $0x39, v6  }
0x4f: {  	v19 =	vadd.s32 v4, v21;
	v11 =	vcvt.f32.s32 v11;
	v9 =	vadd.s32 $0x39, v9;
	v8 =	vld.idx.msk [tilespmem:v8+s2+$0x0], $0xffff  }
0x50: {  	v24 =	vld.idx.msk [tilespmem:v14+s2+$0x0], $0xffff;
	v22 =	vcvt.f32.s32 v7;
	v7 =	vadd.s32 v4, v12;
	v12 =	vadd.s32 v5, v12  }
0x51: {  	v25 =	vadd.s32 $0x39, v11;
	v11 =	vadd.f32 v18, v18;
	v23 =	vld.idx.msk [tilespmem:v10+s2+$0x0], $0xffff;
	v10 =	vshll.u32 v13, $0x7  }
0x52: {  	v22 =	vadd.s32 $0x39, v22;
	v14 =	vadd.f32 v15, v15;
	v10 =	vor.u32 v2, v10  }
0x53: {  	s31 =	simm.s32 $0x80;
	v18 =	vadd.f32 v20, v11;
	v13 =	vadd.s32 v4, v10;
	v15 =	vadd.s32 v5, v10;
	v10 =	vld.idx.msk [tilespmem:v6+s8+$0x0], $0xffff  }
0x54: {  	v20 =	vadd.f32 v16, v14;
	v6 =	vmov s31;
	v11 =	vld.idx.msk [tilespmem:v9+s8+$0x0], $0xffff;
	v8 =	vadd.f32 v8, v8  }
0x55: {  	v14 =	vadd.s32 v5, v21;
	v16 =	vadd.f32 v24, v17;
	v9 =	vshll.u32 v6, $0x7;
	v6 =	vld.idx.msk [tilespmem:v19+s2+$0x0], $0xffff  }
0x56: {  	s18 =	simm.s32 $0xC0;
	v21 =	vtrunc.f32 v18;
	v19 =	vadd.f32 v23, v8;
	v8 =	vor.u32 v2, v9;
	v9 =	vld.idx.msk [tilespmem:v25+s8+$0x0], $0xffff  }
0x57: {  	s17 =	simm.s32 $0x8;
	s16 =	simm.s32 $0x10120;
	s15 =	simm.s32 $0x10160;
	v20 =	vtrunc.f32 v20;
	v18 =	vadd.s32 v4, v8;
	v17 =	vadd.s32 v5, v8;
	v8 =	vld.idx.msk [tilespmem:v22+s8+$0x0], $0xffff  }
.LBB2_4:
0x58: {  	s19 =	sadd.s32 $0x10, s18;
	s20 =	sadd.s32 $0x20, s18;
	s21 =	sadd.s32 $0x30, s18;
	v22 =	vld.idx.msk [tilespmem:v7+s2+$0x0], $0xffff;
	v19 =	vtrunc.f32 v19;
	v21 =	vcvt.f32.s32 v21  }
0x59: {  	s17 =	sadd.s32 $0x4, s17;
	v10 =	vmul.f32 v10, v3;
	v7 =	vmov s19;
	v23 =	vmov s20;
	v24 =	vld.idx.msk [tilespmem:v12+s2+$0x0], $0xffff  }
0x5a: {  	p0 =	slt.u32 s17, $0x1C;
	v11 =	vmul.f32 v11, v3;
	v7 =	vshll.u32 v7, $0x7;
	v12 =	vshll.u32 v23, $0x7;
	v23 =	vld.idx.msk [tilespmem:v15+s2+$0x0], $0xffff  }
0x5b: {  	v25 =	vor.u32 v2, v7;
	v12 =	vor.u32 v2, v12;
	v15 =	vld.idx.msk [tilespmem:v13+s2+$0x0], $0xffff;
	v13 =	vcvt.f32.s32 v20;
	[tilespmem:s16+$0x0] =	vst v10  }
0x5c: {  	v20 =	vadd.s32 v4, v25;
	v7 =	vadd.s32 v4, v12;
	v10 =	vld.idx.msk [tilespmem:v18+s2+$0x0], $0xffff;
	v18 =	vadd.s32 $0x39, v21;
	[tilespmem:s16+$0x10] =	vst v11  }
0x5d: {  	v9 =	vmul.f32 v9, v3;
	v11 =	vtrunc.f32 v16;
	v17 =	vld.idx.msk [tilespmem:v17+s2+$0x0], $0xffff;
	v16 =	vadd.s32 $0x39, v13  }
0x5e: {  	v19 =	vcvt.f32.s32 v19;
	v13 =	vmov s21;
	v11 =	vcvt.f32.s32 v11  }
0x5f: {  	v12 =	vadd.s32 v5, v12;
	v8 =	vmul.f32 v8, v3;
	v13 =	vshll.u32 v13, $0x7;
	v21 =	vld.idx.msk [tilespmem:v14+s2+$0x0], $0xffff;
	[tilespmem:s16+$0xFFFFFFE0] =	vst v9  }
0x60: {  	v26 =	vadd.s32 $0x39, v19;
	v9 =	vor.u32 v2, v13;
	v27 =	vadd.s32 $0x39, v11  }
0x61: {  	v11 =	vadd.f32 v22, v22;
	v13 =	vadd.s32 v4, v9;
	v14 =	vadd.f32 v15, v15;
	[tilespmem:s16+$0xFFFFFFF0] =	vst v8;
	s16 =	smov.u32 s15  }
.Ltmp1:
0x62: {  	v15 =	vadd.s32 v5, v9;
	v9 =	vadd.f32 v6, v6;
	v8 =	vadd.f32 v10, v10;
	v10 =	vld.idx.msk [tilespmem:v18+s8+$0x0], $0xffff;
	(pc) =	sbr.rel @p0 .LBB2_4-.Ltmp1, $4  }
0x63: {  	v6 =	vmov s18;
	v18 =	vadd.f32 v24, v11;
	v22 =	vadd.f32 v23, v14;
	v11 =	vld.idx.msk [tilespmem:v16+s8+$0x0], $0xffff  }
0x64: {  	v14 =	vadd.s32 v5, v25;
	v16 =	vshll.u32 v6, $0x7;
	v19 =	vadd.f32 v17, v8;
	v6 =	vld.idx.msk [tilespmem:v20+s2+$0x0], $0xffff  }
0x65: {  	v8 =	vor.u32 v2, v16;
	v16 =	vadd.f32 v21, v9;
	v21 =	vtrunc.f32 v18;
	v9 =	vld.idx.msk [tilespmem:v26+s8+$0x0], $0xffff  }
0x66: {  	s18 =	sadd.s32 $0x40, s18;
	s15 =	sadd.s32 $0x40, s15;
	v20 =	vtrunc.f32 v22;
	v18 =	vadd.s32 v4, v8;
	v17 =	vadd.s32 v5, v8;
	v8 =	vld.idx.msk [tilespmem:v27+s8+$0x0], $0xffff  }
0x67: {  	_ =	sdelay $0x3  }
0x68: {  	v4 =	vld.idx.msk [tilespmem:v7+s2+$0x0], $0xffff  }
0x69: {  	v5 =	vld.idx.msk [tilespmem:v12+s2+$0x0], $0xffff  }
0x6a: {  	v51 =	vld.idx.msk [tilespmem:v13+s2+$0x0], $0xffff  }
0x6b: {  	v52 =	vld.idx.msk [tilespmem:v18+s2+$0x0], $0xffff  }
0x6c: {  	v15 =	vld.idx.msk [tilespmem:v15+s2+$0x0], $0xffff  }
0x6d: {  	v53 =	vcvt.f32.s32 v21;
	v54 =	vcvt.f32.s32 v20;
	v17 =	vld.idx.msk [tilespmem:v17+s2+$0x0], $0xffff  }
0x6e: {  	v19 =	vtrunc.f32 v19;
	v14 =	vld.idx.msk [tilespmem:v14+s2+$0x0], $0xffff;
	v16 =	vtrunc.f32 v16;
	v4 =	vadd.f32 v4, v4  }
0x6f: {  	v19 =	vcvt.f32.s32 v19;
	v55 =	vcvt.f32.s32 v16;
	v7 =	vadd.f32 v51, v51  }
0x70: {  	v13 =	vadd.s32 $0x39, v53;
	v12 =	vadd.f32 v52, v52;
	v4 =	vadd.f32 v5, v4  }
0x71: {  	v18 =	vadd.s32 $0x39, v54;
	v6 =	vadd.f32 v6, v6;
	v7 =	vadd.f32 v15, v7  }
0x72: {  	v56 =	vadd.s32 $0x39, v19;
	v12 =	vadd.f32 v17, v12;
	v4 =	vtrunc.f32 v4  }
0x73: {  	v6 =	vadd.f32 v14, v6;
	v7 =	vtrunc.f32 v7;
	v4 =	vcvt.f32.s32 v4  }
0x74: {  	v5 =	vadd.s32 $0x39, v55;
	v12 =	vtrunc.f32 v12;
	v7 =	vcvt.f32.s32 v7  }
0x75: {  	v6 =	vtrunc.f32 v6;
	v12 =	vcvt.f32.s32 v12;
	v4 =	vadd.s32 $0x39, v4  }
0x76: {  	v13 =	vld.idx.msk [tilespmem:v13+s8+$0x0], $0xffff;
	v6 =	vcvt.f32.s32 v6;
	v7 =	vadd.s32 $0x39, v7  }
0x77: {  	v10 =	vmul.f32 v10, v3;
	v57 =	vld.idx.msk [tilespmem:v18+s8+$0x0], $0xffff;
	v12 =	vadd.s32 $0x39, v12  }
0x78: {  	v11 =	vmul.f32 v11, v3;
	v15 =	vld.idx.msk [tilespmem:v56+s8+$0x0], $0xffff;
	v6 =	vadd.s32 $0x39, v6  }
0x79: {  	[tilespmem:s16+$0x0] =	vst v10;
	v9 =	vmul.f32 v9, v3;
	v5 =	vld.idx.msk [tilespmem:v5+s8+$0x0], $0xffff  }
0x7a: {  	[tilespmem:s16+$0x10] =	vst v11;
	v8 =	vmul.f32 v8, v3;
	v4 =	vld.idx.msk [tilespmem:v4+s8+$0x0], $0xffff  }
0x7b: {  	[tilespmem:s16+$0xFFFFFFE0] =	vst v9;
	v58 =	vmul.f32 v13, v3;
	v7 =	vld.idx.msk [tilespmem:v7+s8+$0x0], $0xffff  }
0x7c: {  	[tilespmem:s16+$0xFFFFFFF0] =	vst v8;
	v59 =	vmul.f32 v57, v3;
	v60 =	vld.idx.msk [tilespmem:v12+s8+$0x0], $0xffff  }
0x7d: {  	v61 =	vmul.f32 v15, v3;
	[tilespmem:s15+$0x0] =	vst v58;
	v6 =	vld.idx.msk [tilespmem:v6+s8+$0x0], $0xffff  }
0x7e: {  	[tilespmem:s15+$0x10] =	vst v59;
	v5 =	vmul.f32 v5, v3  }
0x7f: {  	[tilespmem:s15+$0xFFFFFFE0] =	vst v61;
	v4 =	vmul.f32 v4, v3  }
0x80: {  	s31 =	sadd.s32 $0x40, s15;
	[tilespmem:s15+$0xFFFFFFF0] =	vst v5;
	v62 =	vmul.f32 v7, v3  }
0x81: {  	v63 =	vmul.f32 v60, v3;
	[tilespmem:s31+$0x0] =	vst v4  }
0x82: {  	s14 =	sadd.s32 $0x1, s14;
	v3 =	vmul.f32 v6, v3;
	[tilespmem:s31+$0x10] =	vst v62  }
0x83: {  	p0 =	sne.s32 s14, s7;
	[tilespmem:s31+$0xFFFFFFE0] =	vst v63  }
.Ltmp2:
0x84: {  	[tilespmem:s31+$0xFFFFFFF0] =	vst v3;
	(pc) =	sbr.rel @p0 .LBB2_1-.Ltmp2, $4  }
0x85: {  	[hbm4b:s6+s2] =	stream.linear.scatter [tilespmem:s12], [sflag:$0x3], $0x200, $0x38;
	[tilespmem:$0x10300] =	vst v63  }
0x86: {  	_ =	swait.ge [sflag:s13], $0x200  }
0x87: {  	[sflag:s13] =	ssyncset.done $0x0  }
0x88: {  	[sflag:s13] =	ssyncadd.s32 $0xFFFFFE00  }
0x89: {  	_ =	sfence.sel $0x180000  }
0x8a: {  	[bflag:$0x0] =	sbarrier.arrive $0xFFFF  }
0x8b: {  	p0 =	sne.s32 s0, $0x0;
	_ =	strace $0x90000047  }
0x8c: {  	s0 =	sadd.s32 @!p0 $0x100000, s1;
	[bflag:$0x2] =	sbarrier.arrive $0xFFFF  }
0x8d: {  	[sflag:s0] =	ssyncadd.tile.s32 @!p0 $0x1;
	_ =	shalt  }
.Lfunc_end2:
_tile_overlayer_lowered:
.L_overlay_start_2:
0x8e: {  	(tag) =	ssettag $0x2  }
0x8f: {  	s0 =	rddreg [dreg:$0x0];
	s2 =	stileid.u32  }
0x90: {  	s1 =	rddreg [dreg:$0x1];
	p0 =	sne.s32 s2, $0x0  }
0x91: {  	s3 =	rddreg [dreg:$0x2];
	[bflag:$0x3] =	sbarrier.arrive $0xFFFF;
	s2 =	simm.s32 @!p0 $0x1C03  }
0x92: {  	[timem:s3], [sflag:s2] =	dma.local @!p0 [hbm:s0], s1  }
0x93: {  	s0 =	simm.s32 @!p0 $0x3  }
0x94: {  	_ =	swait.ge @!p0 [sflag:s0], s1  }
0x95: {  	s1 =	ssub.s32 @!p0 $0x0, s1;
	[sflag:s0] =	ssyncset.done @!p0 $0x0  }
0x96: {  	[sflag:s0] =	ssyncadd.s32 @!p0 s1  }
0x97: {  	[bflag:$0x3] =	sbarrier.arrive $0xFFFF  }
0x98: {  	_ =	shalt  }

</sc_bundles>
